<compile_context>
chip_gen: v7x
topology: tpu7x:2x2x1
jax: 0.10.2.dev20260603
libtpu: 0.0.44.dev20260713+nightly
codegen_flags: <defaults>
</compile_context>

<pallas_src>
import functools

import jax
import jax.numpy as jnp
from jax import lax
from jax.experimental import pallas as pl
from jax.experimental.pallas import tpu as pltpu
from jax.experimental.pallas import tpu_sc as plsc

DIM = 768
NC, NS = 2, 16
NW = NC * NS
K = 40
NBUF = 2


@functools.partial(jax.jit, static_argnums=(2,))
def _sc_gather(W, idx, n_total):
    n_per_w = n_total // NW
    n_chunks = n_per_w // K
    mesh = plsc.VectorSubcoreMesh(core_axis_name="c", subcore_axis_name="s")

    @functools.partial(
        pl.kernel,
        mesh=mesh,
        out_type=jax.ShapeDtypeStruct((n_total, DIM), jnp.float32),
        scratch_types=[
            pltpu.VMEM((n_per_w,), jnp.int32),
            pltpu.VMEM((NBUF, K, DIM), jnp.float32),
            pltpu.VMEM_SHARED((NS, K, DIM), jnp.float32),
            [pltpu.SemaphoreType.DMA] * NBUF,
            [pltpu.SemaphoreType.DMA] * NBUF,
            pltpu.SemaphoreType.DMA,
        ],
    )
    def k(W_hbm, idx_hbm, out_hbm, idx_v, rows_v, spm, gsems, ssems, xsem):
        sid = lax.axis_index("s")
        wid = sid * NC + lax.axis_index("c")
        base = wid * n_per_w
        pltpu.sync_copy(idx_hbm.at[pl.ds(base, n_per_w)], idx_v)

        def gather(c, b):
            pltpu.async_copy(
                W_hbm.at[idx_v.at[pl.ds(c * K, K)]], rows_v.at[b], gsems[b])

        def wait_gather(c, b):
            pltpu.make_async_copy(
                W_hbm.at[idx_v.at[pl.ds(c * K, K)]], rows_v.at[b],
                gsems[b]).wait()

        def store_direct(c, b):
            pltpu.async_copy(
                rows_v.at[b], out_hbm.at[pl.ds(base + c * K, K)], ssems[b])

        def wait_store_direct(c, b):
            pltpu.make_async_copy(
                rows_v.at[b], out_hbm.at[pl.ds(base + c * K, K)],
                ssems[b]).wait()

        def store_spmem(c, b):
            pltpu.async_copy(rows_v.at[b], spm.at[sid], xsem)
            pltpu.make_async_copy(rows_v.at[b], spm.at[sid], xsem).wait()
            pltpu.async_copy(
                spm.at[sid], out_hbm.at[pl.ds(base + c * K, K)], ssems[b])

        def wait_store_spmem(c, b):
            pltpu.make_async_copy(
                spm.at[sid], out_hbm.at[pl.ds(base + c * K, K)],
                ssems[b]).wait()

        for b in range(NBUF):
            gather(b, b)

        @pl.loop(0, n_chunks, step=NBUF)
        def _grp(j):
            wait_gather(j, 0)
            store_direct(j, 0)
            wait_gather(j + 1, 1)

            @pl.when(j > 0)
            def _():
                wait_store_spmem(j - 1, 1)

            store_spmem(j + 1, 1)

            @pl.when(j + NBUF < n_chunks)
            def _():
                wait_store_direct(j, 0)
                gather(j + NBUF, 0)
                gather(j + NBUF + 1, 1)

        wait_store_direct(n_chunks - 2, 0)
        wait_store_spmem(n_chunks - 1, 1)

    return k(W, idx)


def kernel(x, W):
    B, S = x.shape
    n_total = B * S
    out = _sc_gather(W, x.reshape(n_total), n_total)
    return out.reshape(B, S, DIM)

# --- scband reference (transcript-rebuilt; emitter-appended) ---
"""Pipeline reference for scband-language-feature-extractor-15418932593080 (READ-ONLY COPY).

The authoritative reference and input builder live on the scoring server;
editing this copy changes nothing except your own understanding.
"""

import jax, jax.numpy as jnp
import numpy as np

VOCAB = 30522
DIM = 768
BATCH = 1024
SEQ = 200


def setup_inputs(seed: int = 0) -> dict:
    key = jax.random.key(seed)
    k1, k2 = jax.random.split(key)
    # token indices into the LayoutLM word-embedding table
    x = jax.random.randint(k1, (BATCH, SEQ), 0, VOCAB, dtype=jnp.int32)
    # learned parameter: pretrained word embedding table (randomly initialized stand-in)
    W = jax.random.normal(k2, (VOCAB, DIM), dtype=jnp.float32) * 0.02
    return {"x": x, "W": W}


def reference(x, W):
    # nn.Embedding.from_pretrained(W)(x) == row gather from the table
    return jnp.take(W, x, axis=0)

if __name__ == "__main__":
    import jax
    _d = setup_inputs()
    print(jax.jit(kernel)(*tuple(_d.values())))

</pallas_src>

<mosaic_0001>
#map = affine_map<(d0, d1) -> (0, 0)>
#map1 = affine_map<(d0, d1) -> (0)>
module attributes {stable_mosaic.version = 14 : i64} {
  func.func @k(%arg0: i32, %arg1: i32, %arg2: memref<30522x768xf32, #tpu.memory_space<hbm>>, %arg3: memref<204800xi32, #tpu.memory_space<hbm>>, %arg4: memref<204800x768xf32, #tpu.memory_space<hbm>>, %arg5: memref<6400xi32, #tpu.memory_space<vmem>>, %arg6: memref<2x40x768xf32, #tpu.memory_space<vmem>>, %arg7: memref<16x40x768xf32, #tpu.memory_space<vmem_shared>>, %arg8: memref<!tpu.dma_semaphore, #tpu.memory_space<semaphore_mem>>, %arg9: memref<!tpu.dma_semaphore, #tpu.memory_space<semaphore_mem>>, %arg10: memref<!tpu.dma_semaphore, #tpu.memory_space<semaphore_mem>>, %arg11: memref<!tpu.dma_semaphore, #tpu.memory_space<semaphore_mem>>, %arg12: memref<!tpu.dma_semaphore, #tpu.memory_space<semaphore_mem>>) attributes {dimension_semantics = [#tpu.dimension_semantics<core_parallel>, #tpu.dimension_semantics<subcore_parallel>], iteration_bounds = array<i64: 2, 16>, scalar_prefetch = 0 : i64, scratch_operands = 8 : i64, tpu.core_type = #tpu.core_type<sc_vector_subcore>, window_params = [{transform_indices = #map}, {transform_indices = #map1}, {transform_indices = #map}]} {
    %mul3A = arith.constant 2 : i32
    %mul3A_0 = arith.muli %arg1, %mul3A : i32
    %add3A = arith.addi %mul3A_0, %arg0 : i32
    %mul3A_1 = arith.constant 6400 : i32
    %mul3A_2 = arith.muli %add3A, %mul3A_1 : i32
    "tpu.region"() ({
      %run_scoped3A = tpu.sem_alloc : memref<!tpu.dma_semaphore, #tpu.memory_space<semaphore_mem>>
      %dma_start3A_48 = tpu.memref_slice %arg3[%mul3A_2] : memref<204800xi32, #tpu.memory_space<hbm>> -> memref<6400xi32, #tpu.memory_space<hbm>>
      %dma_start3A_49 = tpu.memref_slice %arg3[%mul3A_2] : memref<204800xi32, #tpu.memory_space<hbm>> -> memref<6400xi32, #tpu.memory_space<hbm>>
      tpu.enqueue_dma source(%dma_start3A_49 : memref<6400xi32, #tpu.memory_space<hbm>>) target(%arg5 : memref<6400xi32, #tpu.memory_space<vmem>>) target_semaphore(%run_scoped3A : memref<!tpu.dma_semaphore, #tpu.memory_space<semaphore_mem>>)
      %dma_wait3A_50 = tpu.memref_slice %arg3[%mul3A_2] : memref<204800xi32, #tpu.memory_space<hbm>> -> memref<6400xi32, #tpu.memory_space<hbm>>
      %dma_wait3A_51 = tpu.memref_slice %arg3[%mul3A_2] : memref<204800xi32, #tpu.memory_space<hbm>> -> memref<6400xi32, #tpu.memory_space<hbm>>
      tpu.wait_dma2 semaphore(%run_scoped3A : memref<!tpu.dma_semaphore, #tpu.memory_space<semaphore_mem>>) src(%dma_wait3A_51 : memref<6400xi32, #tpu.memory_space<hbm>>) dst(%arg5 : memref<6400xi32, #tpu.memory_space<vmem>>)
      tpu.yield
    }) : () -> ()
    %dma_start3A = arith.constant 0 : i32
    %dma_start3A_3 = arith.constant 0 : i32
    %dma_start3A_4 = arith.constant 0 : i32
    %dma_start3A_5 = tpu.memref_slice %arg6[%dma_start3A, %dma_start3A_3, %dma_start3A_4] : memref<2x40x768xf32, #tpu.memory_space<vmem>> -> memref<1x40x768xf32, #tpu.memory_space<vmem>>
    %dma_start3A_6 = tpu.memref_squeeze %dma_start3A_5 : memref<1x40x768xf32, #tpu.memory_space<vmem>> -> memref<40x768xf32, #tpu.memory_space<vmem>>
    %dma_start3A_7 = arith.constant 0 : i32
    %dma_start3A_8 = tpu.memref_slice %arg5[%dma_start3A_7] : memref<6400xi32, #tpu.memory_space<vmem>> -> memref<40xi32, #tpu.memory_space<vmem>>
    %dma_start3A_9 = arith.constant 0 : i32
    %dma_start3A_10 = arith.constant 0 : i32
    %dma_start3A_11 = tpu.memref_slice %arg2[%dma_start3A_9, %dma_start3A_10] : memref<30522x768xf32, #tpu.memory_space<hbm>> -> memref<30522x768xf32, #tpu.memory_space<hbm>>
    tpu.enqueue_indirect_dma source(%dma_start3A_11 : memref<30522x768xf32, #tpu.memory_space<hbm>>) target(%dma_start3A_6 : memref<40x768xf32, #tpu.memory_space<vmem>>) offsets(%dma_start3A_8 : memref<40xi32, #tpu.memory_space<vmem>>) semaphore(%arg8 : memref<!tpu.dma_semaphore, #tpu.memory_space<semaphore_mem>>)
    %dma_start3A_12 = arith.constant 1 : i32
    %dma_start3A_13 = arith.constant 0 : i32
    %dma_start3A_14 = arith.constant 0 : i32
    %dma_start3A_15 = tpu.memref_slice %arg6[%dma_start3A_12, %dma_start3A_13, %dma_start3A_14] : memref<2x40x768xf32, #tpu.memory_space<vmem>> -> memref<1x40x768xf32, #tpu.memory_space<vmem>>
    %dma_start3A_16 = tpu.memref_squeeze %dma_start3A_15 : memref<1x40x768xf32, #tpu.memory_space<vmem>> -> memref<40x768xf32, #tpu.memory_space<vmem>>
    %dma_start3A_17 = arith.constant 40 : i32
    %dma_start3A_18 = tpu.memref_slice %arg5[%dma_start3A_17] : memref<6400xi32, #tpu.memory_space<vmem>> -> memref<40xi32, #tpu.memory_space<vmem>>
    %dma_start3A_19 = arith.constant 0 : i32
    %dma_start3A_20 = arith.constant 0 : i32
    %dma_start3A_21 = tpu.memref_slice %arg2[%dma_start3A_19, %dma_start3A_20] : memref<30522x768xf32, #tpu.memory_space<hbm>> -> memref<30522x768xf32, #tpu.memory_space<hbm>>
    tpu.enqueue_indirect_dma source(%dma_start3A_21 : memref<30522x768xf32, #tpu.memory_space<hbm>>) target(%dma_start3A_16 : memref<40x768xf32, #tpu.memory_space<vmem>>) offsets(%dma_start3A_18 : memref<40xi32, #tpu.memory_space<vmem>>) semaphore(%arg9 : memref<!tpu.dma_semaphore, #tpu.memory_space<semaphore_mem>>)
    %scan3A = arith.constant 0 : i32
    %scan3A_22 = arith.constant 80 : i32
    %scan3A_23 = arith.addi %scan3A, %scan3A_22 : i32
    %scan3A_24 = arith.constant 1 : i32
    scf.for %scan3A_48 = %scan3A to %scan3A_23 step %scan3A_24  : i32 {
      %mul3A_49 = arith.constant 2 : i32
      %mul3A_50 = arith.muli %scan3A_48, %mul3A_49 : i32
      %add3A_51 = arith.constant 0 : i32
      %add3A_52 = arith.addi %add3A_51, %mul3A_50 : i32
      %mul3A_53 = arith.constant 40 : i32
      %mul3A_54 = arith.muli %add3A_52, %mul3A_53 : i32
      %dma_wait3A_55 = arith.constant 0 : i32
      %dma_wait3A_56 = arith.constant 0 : i32
      %dma_wait3A_57 = arith.constant 0 : i32
      %dma_wait3A_58 = tpu.memref_slice %arg6[%dma_wait3A_55, %dma_wait3A_56, %dma_wait3A_57] : memref<2x40x768xf32, #tpu.memory_space<vmem>> -> memref<1x40x768xf32, #tpu.memory_space<vmem>>
      %dma_wait3A_59 = tpu.memref_squeeze %dma_wait3A_58 : memref<1x40x768xf32, #tpu.memory_space<vmem>> -> memref<40x768xf32, #tpu.memory_space<vmem>>
      %dma_wait3A_60 = tpu.memref_slice %arg5[%mul3A_54] : memref<6400xi32, #tpu.memory_space<vmem>> -> memref<40xi32, #tpu.memory_space<vmem>>
      %dma_wait3A_61 = arith.constant 0 : i32
      %dma_wait3A_62 = arith.constant 0 : i32
      %dma_wait3A_63 = tpu.memref_slice %arg2[%dma_wait3A_61, %dma_wait3A_62] : memref<30522x768xf32, #tpu.memory_space<hbm>> -> memref<30522x768xf32, #tpu.memory_space<hbm>>
      tpu.wait_indirect_dma semaphore(%arg8 : memref<!tpu.dma_semaphore, #tpu.memory_space<semaphore_mem>>) src(%dma_wait3A_63 : memref<30522x768xf32, #tpu.memory_space<hbm>>) dst(%dma_wait3A_59 : memref<40x768xf32, #tpu.memory_space<vmem>>)
      %mul3A_64 = arith.constant 40 : i32
      %mul3A_65 = arith.muli %add3A_52, %mul3A_64 : i32
      %add3A_66 = arith.addi %mul3A_2, %mul3A_65 : i32
      %dma_start3A_67 = arith.constant 0 : i32
      %dma_start3A_68 = arith.constant 0 : i32
      %dma_start3A_69 = arith.constant 0 : i32
      %dma_start3A_70 = tpu.memref_slice %arg6[%dma_start3A_67, %dma_start3A_68, %dma_start3A_69] : memref<2x40x768xf32, #tpu.memory_space<vmem>> -> memref<1x40x768xf32, #tpu.memory_space<vmem>>
      %dma_start3A_71 = tpu.memref_squeeze %dma_start3A_70 : memref<1x40x768xf32, #tpu.memory_space<vmem>> -> memref<40x768xf32, #tpu.memory_space<vmem>>
      %dma_start3A_72 = arith.constant 0 : i32
      %dma_start3A_73 = tpu.memref_slice %arg4[%add3A_66, %dma_start3A_72] : memref<204800x768xf32, #tpu.memory_space<hbm>> -> memref<40x768xf32, #tpu.memory_space<hbm>>
      %dma_start3A_74 = arith.constant 0 : i32
      %dma_start3A_75 = tpu.memref_slice %arg4[%add3A_66, %dma_start3A_74] : memref<204800x768xf32, #tpu.memory_space<hbm>> -> memref<40x768xf32, #tpu.memory_space<hbm>>
      %dma_start3A_76 = arith.constant 0 : i32
      %dma_start3A_77 = arith.constant 0 : i32
      %dma_start3A_78 = tpu.memref_slice %arg6[%dma_start3A_67, %dma_start3A_76, %dma_start3A_77] : memref<2x40x768xf32, #tpu.memory_space<vmem>> -> memref<1x40x768xf32, #tpu.memory_space<vmem>>
      %dma_start3A_79 = tpu.memref_squeeze %dma_start3A_78 : memref<1x40x768xf32, #tpu.memory_space<vmem>> -> memref<40x768xf32, #tpu.memory_space<vmem>>
      tpu.enqueue_dma source(%dma_start3A_79 : memref<40x768xf32, #tpu.memory_space<vmem>>) target(%dma_start3A_75 : memref<40x768xf32, #tpu.memory_space<hbm>>) target_semaphore(%arg10 : memref<!tpu.dma_semaphore, #tpu.memory_space<semaphore_mem>>)
      %add3A_80 = arith.constant 1 : i32
      %add3A_81 = arith.addi %add3A_52, %add3A_80 : i32
      %mul3A_82 = arith.constant 40 : i32
      %mul3A_83 = arith.muli %add3A_81, %mul3A_82 : i32
      %dma_wait3A_84 = arith.constant 1 : i32
      %dma_wait3A_85 = arith.constant 0 : i32
      %dma_wait3A_86 = arith.constant 0 : i32
      %dma_wait3A_87 = tpu.memref_slice %arg6[%dma_wait3A_84, %dma_wait3A_85, %dma_wait3A_86] : memref<2x40x768xf32, #tpu.memory_space<vmem>> -> memref<1x40x768xf32, #tpu.memory_space<vmem>>
      %dma_wait3A_88 = tpu.memref_squeeze %dma_wait3A_87 : memref<1x40x768xf32, #tpu.memory_space<vmem>> -> memref<40x768xf32, #tpu.memory_space<vmem>>
      %dma_wait3A_89 = tpu.memref_slice %arg5[%mul3A_83] : memref<6400xi32, #tpu.memory_space<vmem>> -> memref<40xi32, #tpu.memory_space<vmem>>
      %dma_wait3A_90 = arith.constant 0 : i32
      %dma_wait3A_91 = arith.constant 0 : i32
      %dma_wait3A_92 = tpu.memref_slice %arg2[%dma_wait3A_90, %dma_wait3A_91] : memref<30522x768xf32, #tpu.memory_space<hbm>> -> memref<30522x768xf32, #tpu.memory_space<hbm>>
      tpu.wait_indirect_dma semaphore(%arg9 : memref<!tpu.dma_semaphore, #tpu.memory_space<semaphore_mem>>) src(%dma_wait3A_92 : memref<30522x768xf32, #tpu.memory_space<hbm>>) dst(%dma_wait3A_88 : memref<40x768xf32, #tpu.memory_space<vmem>>)
      %gt3A = arith.constant 0 : i32
      %gt3A_93 = arith.cmpi sgt, %add3A_52, %gt3A : i32
      %convert_element_type3A = arith.extui %gt3A_93 : i1 to i32
      %cond3A = arith.constant 0 : i32
      %cond3A_94 = arith.cmpi ne, %convert_element_type3A, %cond3A : i32
      scf.if %cond3A_94 {
        %sub3A = arith.constant 1 : i32
        %sub3A_146 = arith.subi %add3A_52, %sub3A : i32
        %mul3A_147 = arith.constant 40 : i32
        %mul3A_148 = arith.muli %sub3A_146, %mul3A_147 : i32
        %add3A_149 = arith.addi %mul3A_2, %mul3A_148 : i32
        %dma_wait3A_150 = arith.constant 0 : i32
        %dma_wait3A_151 = tpu.memref_slice %arg4[%add3A_149, %dma_wait3A_150] : memref<204800x768xf32, #tpu.memory_space<hbm>> -> memref<40x768xf32, #tpu.memory_space<hbm>>
        %dma_wait3A_152 = arith.constant 0 : i32
        %dma_wait3A_153 = arith.constant 0 : i32
        %dma_wait3A_154 = tpu.memref_slice %arg7[%arg1, %dma_wait3A_152, %dma_wait3A_153] : memref<16x40x768xf32, #tpu.memory_space<vmem_shared>> -> memref<1x40x768xf32, #tpu.memory_space<vmem_shared>>
        %dma_wait3A_155 = tpu.memref_squeeze %dma_wait3A_154 : memref<1x40x768xf32, #tpu.memory_space<vmem_shared>> -> memref<40x768xf32, #tpu.memory_space<vmem_shared>>
        tpu.wait_dma2 semaphore(%arg11 : memref<!tpu.dma_semaphore, #tpu.memory_space<semaphore_mem>>) src(%dma_wait3A_155 : memref<40x768xf32, #tpu.memory_space<vmem_shared>>) dst(%dma_wait3A_151 : memref<40x768xf32, #tpu.memory_space<hbm>>)
      } else {
      }
      %add3A_95 = arith.constant 1 : i32
      %add3A_96 = arith.addi %add3A_52, %add3A_95 : i32
      %dma_start3A_97 = arith.constant 1 : i32
      %dma_start3A_98 = arith.constant 0 : i32
      %dma_start3A_99 = arith.constant 0 : i32
      %dma_start3A_100 = tpu.memref_slice %arg6[%dma_start3A_97, %dma_start3A_98, %dma_start3A_99] : memref<2x40x768xf32, #tpu.memory_space<vmem>> -> memref<1x40x768xf32, #tpu.memory_space<vmem>>
      %dma_start3A_101 = tpu.memref_squeeze %dma_start3A_100 : memref<1x40x768xf32, #tpu.memory_space<vmem>> -> memref<40x768xf32, #tpu.memory_space<vmem>>
      %dma_start3A_102 = arith.constant 0 : i32
      %dma_start3A_103 = arith.constant 0 : i32
      %dma_start3A_104 = tpu.memref_slice %arg7[%arg1, %dma_start3A_102, %dma_start3A_103] : memref<16x40x768xf32, #tpu.memory_space<vmem_shared>> -> memref<1x40x768xf32, #tpu.memory_space<vmem_shared>>
      %dma_start3A_105 = tpu.memref_squeeze %dma_start3A_104 : memref<1x40x768xf32, #tpu.memory_space<vmem_shared>> -> memref<40x768xf32, #tpu.memory_space<vmem_shared>>
      %dma_start3A_106 = arith.constant 0 : i32
      %dma_start3A_107 = arith.constant 0 : i32
      %dma_start3A_108 = tpu.memref_slice %arg7[%arg1, %dma_start3A_106, %dma_start3A_107] : memref<16x40x768xf32, #tpu.memory_space<vmem_shared>> -> memref<1x40x768xf32, #tpu.memory_space<vmem_shared>>
      %dma_start3A_109 = tpu.memref_squeeze %dma_start3A_108 : memref<1x40x768xf32, #tpu.memory_space<vmem_shared>> -> memref<40x768xf32, #tpu.memory_space<vmem_shared>>
      %dma_start3A_110 = arith.constant 0 : i32
      %dma_start3A_111 = arith.constant 0 : i32
      %dma_start3A_112 = tpu.memref_slice %arg6[%dma_start3A_97, %dma_start3A_110, %dma_start3A_111] : memref<2x40x768xf32, #tpu.memory_space<vmem>> -> memref<1x40x768xf32, #tpu.memory_space<vmem>>
      %dma_start3A_113 = tpu.memref_squeeze %dma_start3A_112 : memref<1x40x768xf32, #tpu.memory_space<vmem>> -> memref<40x768xf32, #tpu.memory_space<vmem>>
      tpu.enqueue_dma source(%dma_start3A_113 : memref<40x768xf32, #tpu.memory_space<vmem>>) target(%dma_start3A_109 : memref<40x768xf32, #tpu.memory_space<vmem_shared>>) target_semaphore(%arg12 : memref<!tpu.dma_semaphore, #tpu.memory_space<semaphore_mem>>)
      %dma_wait3A_114 = arith.constant 1 : i32
      %dma_wait3A_115 = arith.constant 0 : i32
      %dma_wait3A_116 = arith.constant 0 : i32
      %dma_wait3A_117 = tpu.memref_slice %arg6[%dma_wait3A_114, %dma_wait3A_115, %dma_wait3A_116] : memref<2x40x768xf32, #tpu.memory_space<vmem>> -> memref<1x40x768xf32, #tpu.memory_space<vmem>>
      %dma_wait3A_118 = tpu.memref_squeeze %dma_wait3A_117 : memref<1x40x768xf32, #tpu.memory_space<vmem>> -> memref<40x768xf32, #tpu.memory_space<vmem>>
      %dma_wait3A_119 = arith.constant 0 : i32
      %dma_wait3A_120 = arith.constant 0 : i32
      %dma_wait3A_121 = tpu.memref_slice %arg7[%arg1, %dma_wait3A_119, %dma_wait3A_120] : memref<16x40x768xf32, #tpu.memory_space<vmem_shared>> -> memref<1x40x768xf32, #tpu.memory_space<vmem_shared>>
      %dma_wait3A_122 = tpu.memref_squeeze %dma_wait3A_121 : memref<1x40x768xf32, #tpu.memory_space<vmem_shared>> -> memref<40x768xf32, #tpu.memory_space<vmem_shared>>
      %dma_wait3A_123 = arith.constant 0 : i32
      %dma_wait3A_124 = arith.constant 0 : i32
      %dma_wait3A_125 = tpu.memref_slice %arg7[%arg1, %dma_wait3A_123, %dma_wait3A_124] : memref<16x40x768xf32, #tpu.memory_space<vmem_shared>> -> memref<1x40x768xf32, #tpu.memory_space<vmem_shared>>
      %dma_wait3A_126 = tpu.memref_squeeze %dma_wait3A_125 : memref<1x40x768xf32, #tpu.memory_space<vmem_shared>> -> memref<40x768xf32, #tpu.memory_space<vmem_shared>>
      %dma_wait3A_127 = arith.constant 0 : i32
      %dma_wait3A_128 = arith.constant 0 : i32
      %dma_wait3A_129 = tpu.memref_slice %arg6[%dma_wait3A_114, %dma_wait3A_127, %dma_wait3A_128] : memref<2x40x768xf32, #tpu.memory_space<vmem>> -> memref<1x40x768xf32, #tpu.memory_space<vmem>>
      %dma_wait3A_130 = tpu.memref_squeeze %dma_wait3A_129 : memref<1x40x768xf32, #tpu.memory_space<vmem>> -> memref<40x768xf32, #tpu.memory_space<vmem>>
      tpu.wait_dma2 semaphore(%arg12 : memref<!tpu.dma_semaphore, #tpu.memory_space<semaphore_mem>>) src(%dma_wait3A_130 : memref<40x768xf32, #tpu.memory_space<vmem>>) dst(%dma_wait3A_126 : memref<40x768xf32, #tpu.memory_space<vmem_shared>>)
      %mul3A_131 = arith.constant 40 : i32
      %mul3A_132 = arith.muli %add3A_96, %mul3A_131 : i32
      %add3A_133 = arith.addi %mul3A_2, %mul3A_132 : i32
      %dma_start3A_134 = arith.constant 0 : i32
      %dma_start3A_135 = tpu.memref_slice %arg4[%add3A_133, %dma_start3A_134] : memref<204800x768xf32, #tpu.memory_space<hbm>> -> memref<40x768xf32, #tpu.memory_space<hbm>>
      %dma_start3A_136 = arith.constant 0 : i32
      %dma_start3A_137 = arith.constant 0 : i32
      %dma_start3A_138 = tpu.memref_slice %arg7[%arg1, %dma_start3A_136, %dma_start3A_137] : memref<16x40x768xf32, #tpu.memory_space<vmem_shared>> -> memref<1x40x768xf32, #tpu.memory_space<vmem_shared>>
      %dma_start3A_139 = tpu.memref_squeeze %dma_start3A_138 : memref<1x40x768xf32, #tpu.memory_space<vmem_shared>> -> memref<40x768xf32, #tpu.memory_space<vmem_shared>>
      tpu.enqueue_dma source(%dma_start3A_139 : memref<40x768xf32, #tpu.memory_space<vmem_shared>>) target(%dma_start3A_135 : memref<40x768xf32, #tpu.memory_space<hbm>>) target_semaphore(%arg11 : memref<!tpu.dma_semaphore, #tpu.memory_space<semaphore_mem>>)
      %add3A_140 = arith.constant 2 : i32
      %add3A_141 = arith.addi %add3A_52, %add3A_140 : i32
      %lt3A = arith.constant 160 : i32
      %lt3A_142 = arith.cmpi slt, %add3A_141, %lt3A : i32
      %convert_element_type3A_143 = arith.extui %lt3A_142 : i1 to i32
      %cond3A_144 = arith.constant 0 : i32
      %cond3A_145 = arith.cmpi ne, %convert_element_type3A_143, %cond3A_144 : i32
      scf.if %cond3A_145 {
        %mul3A_146 = arith.constant 40 : i32
        %mul3A_147 = arith.muli %add3A_52, %mul3A_146 : i32
        %add3A_148 = arith.addi %mul3A_2, %mul3A_147 : i32
        %dma_wait3A_149 = arith.constant 0 : i32
        %dma_wait3A_150 = arith.constant 0 : i32
        %dma_wait3A_151 = arith.constant 0 : i32
        %dma_wait3A_152 = tpu.memref_slice %arg6[%dma_wait3A_149, %dma_wait3A_150, %dma_wait3A_151] : memref<2x40x768xf32, #tpu.memory_space<vmem>> -> memref<1x40x768xf32, #tpu.memory_space<vmem>>
        %dma_wait3A_153 = tpu.memref_squeeze %dma_wait3A_152 : memref<1x40x768xf32, #tpu.memory_space<vmem>> -> memref<40x768xf32, #tpu.memory_space<vmem>>
        %dma_wait3A_154 = arith.constant 0 : i32
        %dma_wait3A_155 = tpu.memref_slice %arg4[%add3A_148, %dma_wait3A_154] : memref<204800x768xf32, #tpu.memory_space<hbm>> -> memref<40x768xf32, #tpu.memory_space<hbm>>
        %dma_wait3A_156 = arith.constant 0 : i32
        %dma_wait3A_157 = tpu.memref_slice %arg4[%add3A_148, %dma_wait3A_156] : memref<204800x768xf32, #tpu.memory_space<hbm>> -> memref<40x768xf32, #tpu.memory_space<hbm>>
        %dma_wait3A_158 = arith.constant 0 : i32
        %dma_wait3A_159 = arith.constant 0 : i32
        %dma_wait3A_160 = tpu.memref_slice %arg6[%dma_wait3A_149, %dma_wait3A_158, %dma_wait3A_159] : memref<2x40x768xf32, #tpu.memory_space<vmem>> -> memref<1x40x768xf32, #tpu.memory_space<vmem>>
        %dma_wait3A_161 = tpu.memref_squeeze %dma_wait3A_160 : memref<1x40x768xf32, #tpu.memory_space<vmem>> -> memref<40x768xf32, #tpu.memory_space<vmem>>
        tpu.wait_dma2 semaphore(%arg10 : memref<!tpu.dma_semaphore, #tpu.memory_space<semaphore_mem>>) src(%dma_wait3A_161 : memref<40x768xf32, #tpu.memory_space<vmem>>) dst(%dma_wait3A_157 : memref<40x768xf32, #tpu.memory_space<hbm>>)
        %add3A_162 = arith.constant 2 : i32
        %add3A_163 = arith.addi %add3A_52, %add3A_162 : i32
        %mul3A_164 = arith.constant 40 : i32
        %mul3A_165 = arith.muli %add3A_163, %mul3A_164 : i32
        %dma_start3A_166 = arith.constant 0 : i32
        %dma_start3A_167 = arith.constant 0 : i32
        %dma_start3A_168 = arith.constant 0 : i32
        %dma_start3A_169 = tpu.memref_slice %arg6[%dma_start3A_166, %dma_start3A_167, %dma_start3A_168] : memref<2x40x768xf32, #tpu.memory_space<vmem>> -> memref<1x40x768xf32, #tpu.memory_space<vmem>>
        %dma_start3A_170 = tpu.memref_squeeze %dma_start3A_169 : memref<1x40x768xf32, #tpu.memory_space<vmem>> -> memref<40x768xf32, #tpu.memory_space<vmem>>
        %dma_start3A_171 = tpu.memref_slice %arg5[%mul3A_165] : memref<6400xi32, #tpu.memory_space<vmem>> -> memref<40xi32, #tpu.memory_space<vmem>>
        %dma_start3A_172 = arith.constant 0 : i32
        %dma_start3A_173 = arith.constant 0 : i32
        %dma_start3A_174 = tpu.memref_slice %arg2[%dma_start3A_172, %dma_start3A_173] : memref<30522x768xf32, #tpu.memory_space<hbm>> -> memref<30522x768xf32, #tpu.memory_space<hbm>>
        tpu.enqueue_indirect_dma source(%dma_start3A_174 : memref<30522x768xf32, #tpu.memory_space<hbm>>) target(%dma_start3A_170 : memref<40x768xf32, #tpu.memory_space<vmem>>) offsets(%dma_start3A_171 : memref<40xi32, #tpu.memory_space<vmem>>) semaphore(%arg8 : memref<!tpu.dma_semaphore, #tpu.memory_space<semaphore_mem>>)
        %add3A_175 = arith.constant 2 : i32
        %add3A_176 = arith.addi %add3A_52, %add3A_175 : i32
        %add3A_177 = arith.constant 1 : i32
        %add3A_178 = arith.addi %add3A_176, %add3A_177 : i32
        %mul3A_179 = arith.constant 40 : i32
        %mul3A_180 = arith.muli %add3A_178, %mul3A_179 : i32
        %dma_start3A_181 = arith.constant 1 : i32
        %dma_start3A_182 = arith.constant 0 : i32
        %dma_start3A_183 = arith.constant 0 : i32
        %dma_start3A_184 = tpu.memref_slice %arg6[%dma_start3A_181, %dma_start3A_182, %dma_start3A_183] : memref<2x40x768xf32, #tpu.memory_space<vmem>> -> memref<1x40x768xf32, #tpu.memory_space<vmem>>
        %dma_start3A_185 = tpu.memref_squeeze %dma_start3A_184 : memref<1x40x768xf32, #tpu.memory_space<vmem>> -> memref<40x768xf32, #tpu.memory_space<vmem>>
        %dma_start3A_186 = tpu.memref_slice %arg5[%mul3A_180] : memref<6400xi32, #tpu.memory_space<vmem>> -> memref<40xi32, #tpu.memory_space<vmem>>
        %dma_start3A_187 = arith.constant 0 : i32
        %dma_start3A_188 = arith.constant 0 : i32
        %dma_start3A_189 = tpu.memref_slice %arg2[%dma_start3A_187, %dma_start3A_188] : memref<30522x768xf32, #tpu.memory_space<hbm>> -> memref<30522x768xf32, #tpu.memory_space<hbm>>
        tpu.enqueue_indirect_dma source(%dma_start3A_189 : memref<30522x768xf32, #tpu.memory_space<hbm>>) target(%dma_start3A_185 : memref<40x768xf32, #tpu.memory_space<vmem>>) offsets(%dma_start3A_186 : memref<40xi32, #tpu.memory_space<vmem>>) semaphore(%arg9 : memref<!tpu.dma_semaphore, #tpu.memory_space<semaphore_mem>>)
      } else {
      }
    }
    %scan3A_25 = arith.constant 80 : i32
    %add3A_26 = arith.constant 6320 : i32
    %add3A_27 = arith.addi %mul3A_2, %add3A_26 : i32
    %dma_wait3A = arith.constant 0 : i32
    %dma_wait3A_28 = arith.constant 0 : i32
    %dma_wait3A_29 = arith.constant 0 : i32
    %dma_wait3A_30 = tpu.memref_slice %arg6[%dma_wait3A, %dma_wait3A_28, %dma_wait3A_29] : memref<2x40x768xf32, #tpu.memory_space<vmem>> -> memref<1x40x768xf32, #tpu.memory_space<vmem>>
    %dma_wait3A_31 = tpu.memref_squeeze %dma_wait3A_30 : memref<1x40x768xf32, #tpu.memory_space<vmem>> -> memref<40x768xf32, #tpu.memory_space<vmem>>
    %dma_wait3A_32 = arith.constant 0 : i32
    %dma_wait3A_33 = tpu.memref_slice %arg4[%add3A_27, %dma_wait3A_32] : memref<204800x768xf32, #tpu.memory_space<hbm>> -> memref<40x768xf32, #tpu.memory_space<hbm>>
    %dma_wait3A_34 = arith.constant 0 : i32
    %dma_wait3A_35 = tpu.memref_slice %arg4[%add3A_27, %dma_wait3A_34] : memref<204800x768xf32, #tpu.memory_space<hbm>> -> memref<40x768xf32, #tpu.memory_space<hbm>>
    %dma_wait3A_36 = arith.constant 0 : i32
    %dma_wait3A_37 = arith.constant 0 : i32
    %dma_wait3A_38 = tpu.memref_slice %arg6[%dma_wait3A, %dma_wait3A_36, %dma_wait3A_37] : memref<2x40x768xf32, #tpu.memory_space<vmem>> -> memref<1x40x768xf32, #tpu.memory_space<vmem>>
    %dma_wait3A_39 = tpu.memref_squeeze %dma_wait3A_38 : memref<1x40x768xf32, #tpu.memory_space<vmem>> -> memref<40x768xf32, #tpu.memory_space<vmem>>
    tpu.wait_dma2 semaphore(%arg10 : memref<!tpu.dma_semaphore, #tpu.memory_space<semaphore_mem>>) src(%dma_wait3A_39 : memref<40x768xf32, #tpu.memory_space<vmem>>) dst(%dma_wait3A_35 : memref<40x768xf32, #tpu.memory_space<hbm>>)
    %add3A_40 = arith.constant 6360 : i32
    %add3A_41 = arith.addi %mul3A_2, %add3A_40 : i32
    %dma_wait3A_42 = arith.constant 0 : i32
    %dma_wait3A_43 = tpu.memref_slice %arg4[%add3A_41, %dma_wait3A_42] : memref<204800x768xf32, #tpu.memory_space<hbm>> -> memref<40x768xf32, #tpu.memory_space<hbm>>
    %dma_wait3A_44 = arith.constant 0 : i32
    %dma_wait3A_45 = arith.constant 0 : i32
    %dma_wait3A_46 = tpu.memref_slice %arg7[%arg1, %dma_wait3A_44, %dma_wait3A_45] : memref<16x40x768xf32, #tpu.memory_space<vmem_shared>> -> memref<1x40x768xf32, #tpu.memory_space<vmem_shared>>
    %dma_wait3A_47 = tpu.memref_squeeze %dma_wait3A_46 : memref<1x40x768xf32, #tpu.memory_space<vmem_shared>> -> memref<40x768xf32, #tpu.memory_space<vmem_shared>>
    tpu.wait_dma2 semaphore(%arg11 : memref<!tpu.dma_semaphore, #tpu.memory_space<semaphore_mem>>) src(%dma_wait3A_47 : memref<40x768xf32, #tpu.memory_space<vmem_shared>>) dst(%dma_wait3A_43 : memref<40x768xf32, #tpu.memory_space<hbm>>)
    return
  }
}

</mosaic_0001>

<sc_bundles>
// kernel: _sc_gather.3.cloned.1.call-start
scs
__scs_entry_jumppad:
0x0: {  	(pc) =	sbr.rel $0x88, $3  }
0x1: {  	(tag) =	ssettag $0x0;
	lr =	simm.s32 $0x1  }
0x2: {  	[smem:$0x3F9F] =	sst lr;
	_ =	strace $0xD0000000  }
0x3: {  	_ = 	snop  }
0x4: {  	_ = 	snop  }
0x5: {  	_ = 	snop  }
0x6: {  	_ = 	snop  }
0x7: {  	_ = 	snop  }
__scs_overlays_trampoline_lowered:
0x8: {  	[smem:$0x3FAE] =	sst s0  }
0x9: {  	[smem:$0x3FAF] =	sst s1  }
0xa: {  	[smem:$0x3FB0] =	sst s2  }
0xb: {  	[smem:$0x3FB1] =	sst s3  }
0xc: {  	[smem:$0x3FB2] =	sst s4  }
0xd: {  	[smem:$0x3FB3] =	sst s5  }
0xe: {  	[smem:$0x3FB4] =	sst s6  }
0xf: {  	[smem:$0x3FB5] =	sst s7  }
0x10: {  	[smem:$0x3FB6] =	sst s8  }
0x11: {  	[smem:$0x3FB7] =	sst s9;
	s0 =	simm.s32 @!p0 $0x0  }
0x12: {  	s1 =	sld [smem:$0x3F9D];
	s0 =	simm.s32 @p0 $0x1  }
0x13: {  	[smem:$0x3FB8] =	sst s0;
	s0 =	simm.s32 @!p1 $0x0  }
0x14: {  	s2 =	sld [smem:$0x3F9C];
	s0 =	simm.s32 @p1 $0x1  }
0x15: {  	[smem:$0x3FB9] =	sst s0;
	s0 =	simm.s32 @!p2 $0x0  }
0x16: {  	s3 =	sld [smem:$0x3FDB];
	s0 =	simm.s32 @p2 $0x1  }
0x17: {  	s4 =	simm.s32 $0x1BF5;
	[smem:$0x3FBB] =	sst s0  }
0x18: {  	s0 =	sld [smem:$0x3F9E];
	_ =	swait.ge [sflag:s4], $0x0  }
0x19: {  	s7 =	sld [smem:$0x3F9F]  }
0x1a: {  	s8 =	sadd.s32 $0xFFFFE003, lr  }
0x1b: {  	s9 =	sadd.s32 $0xFFFFFEF7, lr;
	s5 =	simm.s32 $0xFFFFFFFF;
	p2 =	slt.u32 s8, $0xFFFFF086  }
0x1c: {  	p1 =	slt.u32 s9, $0xF7A;
	s5 =	simm.s32 @!p2 $0x0  }
0x1d: {  	s5 =	simm.s32 @p1 $0x1;
	p0 =	seq.s32 s7, s2  }
0x1e: {  	s7 =	smul.u32 @!p0 $0xF7A, s2;
	p2 =	seq.s32 @!p0 s5, $0x0  }
0x1f: {  	s9 =	smul.u32 $0xF7A, s1;
	s8 =	simm.s32 @!p0 $0x1BF5;
	p2 =	por !p2, p0  }
0x20: {  	[sflag:s8] =	ssyncset.s32 @!p0 $0xFFFFF086;
	s6 =	sadd.s32 @!p0 s3, s7;
	s7 =	simm.s32 @!p0 $0x108  }
0x21: {  	s3 =	sadd.s32 s3, s9;
	s6 =	sadd.s32 @!p0 $0x88, s6;
	s7 =	simm.s32 @p2 $0x1082  }
0x22: {  	[simem:s7], [sflag:s8] =	dma.local @!p0 [hbm:s6], $0xF7A  }
0x23: {  	s9 =	sor.u32 $0xD0000000, s2;
	s6 =	simm.s32 $0x108;
	_ =	swait.ge @!p0 [sflag:s8], $0x0  }
0x24: {  	s3 =	sadd.s32 $0x88, s3;
	s6 =	simm.s32 @!p1 $0x1082;
	[sflag:s4] =	ssyncset.s32 $0xFFFFF086  }
0x25: {  	[simem:s6], [sflag:s4] =	dma.local [hbm:s3], $0xF7A  }
0x26: {  	[smem:$0x3F9F] =	sst s1;
	(tag) =	ssettag s2;
	_ =	strace s9  }
0x27: {  	s1 =	sld [smem:$0x3FAF]  }
0x28: {  	s2 =	sld [smem:$0x3FB0]  }
0x29: {  	s4 =	sld [smem:$0x3FB2]  }
0x2a: {  	p0 =	seq.s32 s5, $0x0;
	s5 =	sld [smem:$0x3FB3]  }
0x2b: {  	s6 =	sld [smem:$0x3FB4]  }
0x2c: {  	s7 =	sld [smem:$0x3FB5]  }
0x2d: {  	s3 =	simm.s32 $0x108;
	s8 =	sld [smem:$0x3FB6]  }
0x2e: {  	s3 =	simm.s32 @!p0 $0x1082;
	s9 =	sld [smem:$0x3FB7]  }
0x2f: {  	lr =	sadd.s32 s0, s3;
	s0 =	sld [smem:$0x3FAE]  }
0x30: {  	s3 =	sld [smem:$0x3FB1]  }
0x31: {  	[smem:$0x3FBA] =	sst s10  }
0x32: {  	s10 =	sld [smem:$0x3FB8];
	_ =	sdelay $0x3  }
0x33: {  	p0 =	seq.s32 s10, $0x1;
	s10 =	sld [smem:$0x3FBA];
	_ =	sdelay $0x3  }
0x34: {  	[smem:$0x3FBA] =	sst s10  }
0x35: {  	s10 =	sld [smem:$0x3FB9];
	_ =	sdelay $0x3  }
0x36: {  	p1 =	seq.s32 s10, $0x1;
	s10 =	sld [smem:$0x3FBA];
	_ =	sdelay $0x3  }
0x37: {  	[smem:$0x3FBA] =	sst s10  }
0x38: {  	s10 =	sld [smem:$0x3FBB]  }
0x39: {  	_ = 	snop;
	(pc) =	sbr.ind lr, $3  }
0x3a: {  	_ = 	snop  }
0x3b: {  	_ = 	snop  }
0x3c: {  	p2 =	seq.s32 s10, $0x1;
	s10 =	sld [smem:$0x3FBA]  }
0x3d: {  	_ =	shalt  }
0x3e: {  	_ =	shalt  }
0x3f: {  	_ =	shalt  }
0x40: {  	_ =	shalt  }
0x41: {  	_ =	shalt  }
0x42: {  	_ =	shalt  }
0x43: {  	_ =	shalt  }
0x44: {  	_ =	shalt  }
0x45: {  	_ =	shalt  }
0x46: {  	_ =	shalt  }
0x47: {  	_ =	shalt  }
0x48: {  	_ =	shalt  }
0x49: {  	_ =	shalt  }
0x4a: {  	_ =	shalt  }
0x4b: {  	_ =	shalt  }
0x4c: {  	_ =	shalt  }
0x4d: {  	_ =	shalt  }
0x4e: {  	_ =	shalt  }
0x4f: {  	_ =	shalt  }
0x50: {  	_ =	shalt  }
0x51: {  	_ =	shalt  }
0x52: {  	_ =	shalt  }
0x53: {  	_ =	shalt  }
0x54: {  	_ =	shalt  }
0x55: {  	_ =	shalt  }
0x56: {  	_ =	shalt  }
0x57: {  	_ =	shalt  }
0x58: {  	_ =	shalt  }
0x59: {  	_ =	shalt  }
0x5a: {  	_ =	shalt  }
0x5b: {  	_ =	shalt  }
0x5c: {  	_ =	shalt  }
0x5d: {  	_ =	shalt  }
0x5e: {  	_ =	shalt  }
0x5f: {  	_ =	shalt  }
0x60: {  	_ =	shalt  }
0x61: {  	_ =	shalt  }
0x62: {  	_ =	shalt  }
0x63: {  	_ =	shalt  }
0x64: {  	_ =	shalt  }
0x65: {  	_ =	shalt  }
0x66: {  	_ =	shalt  }
0x67: {  	_ =	shalt  }
0x68: {  	_ =	shalt  }
0x69: {  	_ =	shalt  }
0x6a: {  	_ =	shalt  }
0x6b: {  	_ =	shalt  }
0x6c: {  	_ =	shalt  }
0x6d: {  	_ =	shalt  }
0x6e: {  	_ =	shalt  }
0x6f: {  	_ =	shalt  }
0x70: {  	_ =	shalt  }
0x71: {  	_ =	shalt  }
0x72: {  	_ =	shalt  }
0x73: {  	_ =	shalt  }
0x74: {  	_ =	shalt  }
0x75: {  	_ =	shalt  }
0x76: {  	_ =	shalt  }
0x77: {  	_ =	shalt  }
0x78: {  	_ =	shalt  }
0x79: {  	_ =	shalt  }
0x7a: {  	_ =	shalt  }
0x7b: {  	_ =	shalt  }
0x7c: {  	_ =	shalt  }
0x7d: {  	_ =	shalt  }
0x7e: {  	_ =	shalt  }
0x7f: {  	_ =	shalt  }
0x80: {  	_ =	shalt  }
0x81: {  	_ =	shalt  }
0x82: {  	_ =	shalt  }
0x83: {  	_ =	shalt  }
0x84: {  	_ =	shalt  }
0x85: {  	_ =	shalt  }
0x86: {  	_ =	shalt  }
0x87: {  	_ =	shalt  }
.Lfunc_end0:
.L_simem_size_0:
called_computation_lowered:
.L_overlay_start_0:
0x88: {  	s2 =	sld [smem:$0x3FD9]  }
0x89: {  	s3 =	sld [smem:$0x3FFE];
	_ =	sdelay $0x1  }
0x8a: {  	s1 =	srdreg.scid  }
0x8b: {  	s0 =	sand.u32 $0x1, s1  }
0x8c: {  	s18 =	sshll.u32 s0, $0xA;
	s2 =	sadd.s32 s3, s2  }
0x8d: {  	s2 =	sadd.s32 s2, s18  }
0x8e: {  	[smem:$0x3FC6] =	sst s2  }
0x8f: {  	_ = 	snop  }
0x90: {  	s2 =	sld [smem:$0x3FC9]  }
0x91: {  	s19 =	sld [smem:$0x3FC8]  }
0x92: {  	s4 =	sld [smem:$0x3FD0];
	(tm) =	ssettm $0x1  }
0x93: {  	s5 =	sld [smem:$0x3FFB];
	_ =	sdelay $0x3  }
0x94: {  	_ =	strace s5  }
0x95: {  	s5 =	sld [smem:$0x3FFC];
	_ =	sdelay $0x3  }
0x96: {  	_ =	strace s5  }
0x97: {  	s5 =	sld [smem:$0x3FFD];
	_ =	sdelay $0x3  }
0x98: {  	_ =	strace s5  }
0x99: {  	_ =	strace $0x8FFFFFFF  }
0x9a: {  	s20 =	sld [smem:$0x3FDB];
	_ =	sdelay $0x1  }
0x9b: {  	s6 =	simm.s32 $_scs_section_size  }
0x9c: {  	s7 =	simm.s32 $_size__tile_overlayer_lowered;
	s8 =	simm.s32 $_tile_overlayer_lowered  }
0x9d: {  	s23 =	simm.s32 $0x1BFF;
	s22 =	sshll.u32 s8, $0x1;
	s5 =	sadd.s32 s6, s20  }
0x9e: {  	s9 =	simm.s32 $0x0;
	s21 =	sshll.u32 s7, $0x1;
	s7 =	sadd.s32 s22, s5  }
0x9f: {  	[timem:s9], [sflag:s23] =	dma.local [hbm:s7], s21  }
0xa0: {  	_ =	swait.ge [sflag:s23], s21  }
0xa1: {  	s6 =	ssub.s32 $0x0, s21;
	[sflag:s23] =	ssyncset.done $0x0  }
0xa2: {  	[sflag:s23] =	ssyncadd.s32 s6;
	_ =	sdelay $0x1  }
0xa3: {  	s24 =	simm.s32 $0x1B8B  }
0xa4: {  	_ =	swait.ge [sflag:s24], $0x1  }
0xa5: {  	[sflag:s24] =	ssyncset.done $0x0  }
0xa6: {  	s25 =	simm.s32 $0x1B8E;
	[sflag:s24] =	ssyncadd.s32 $0xFFFFFFFF  }
0xa7: {  	s26 =	simm.s32 $execute0_lowered;
	[smem:$0x3FD2] =	sst s25  }
0xa8: {  	s6 =	sshll.u32 s26, $0x1;
	_ =	strace $0x80000046;
	[dreg:$0x1] =	wrdreg $0xFFFFFFFF  }
0xa9: {  	s28 =	simm.s32 $_size_execute0_lowered;
	s5 =	sadd.s32 s5, s6;
	[dreg:$0x0] =	wrdreg $0x0  }
0xaa: {  	s6 =	sshll.u32 s28, $0x1;
	[dreg:$0x2] =	wrdreg s5  }
0xab: {  	[dreg:$0x3] =	wrdreg s6  }
0xac: {  	[dreg:$0x4] =	wrdreg $0xC0  }
0xad: {  	_ =	task [dreg:s9], $0x5FFFF  }
0xae: {  	[dreg:$0x1] =	wrdreg $0xFFFFFFFF  }
0xaf: {  	[dreg:$0x0] =	wrdreg $0x60  }
0xb0: {  	[dreg:$0x2] =	wrdreg s2  }
0xb1: {  	[dreg:$0x3] =	wrdreg s19  }
0xb2: {  	[dreg:$0x4] =	wrdreg s4  }
0xb3: {  	[dreg:$0x5] =	wrdreg $0x109000  }
0xb4: {  	[dreg:$0x6] =	wrdreg $0x9  }
0xb5: {  	_ =	task.clear_ibuf [dreg:s9], $0x7FFFF;
	_ =	strace $0x90000046  }
0xb6: {  	s29 =	simm.s32 $0x9;
	_ =	strace $0x80000048  }
0xb7: {  	_ =	swait.ge [sflag:s29], $0x1  }
0xb8: {  	[sflag:s29] =	ssyncadd.s32 $0xFFFFFFFF  }
0xb9: {  	_ =	strace $0x90000048  }
0xba: {  	_ =	sfence  }
0xbb: {  	s30 =	sld [smem:$0x0];
	_ =	sdelay $0x2  }
0xbc: {  	s31 =	sshll.u32 s1, $0xD;
	s1 =	sshrl.u32 s1, $0x2  }
0xbd: {  	s3 =	sand.u32 $0x4000, s31;
	s1 =	sadd.s32 s1, s30  }
0xbe: {  	s0 =	sor.u32 s3, s0;
	s1 =	sshll.u32 s1, $0x11  }
0xbf: {  	s0 =	sor.u32 s1, s0  }
0xc0: {  	s0 =	sadd.s32 $0x8F2B, s0  }
0xc1: {  	[sflag:s0] =	ssyncadd.remote.s32 $0x1  }
0xc2: {  	_ =	sfence.sel $0xFFFF  }
0xc3: {  	[dreg:$0x0] =	wrdreg $0xFFFFFFFF;
	(pc) =	sbr.abs _section_cstart, $3  }
0xc4: {  	[dreg:$0x1] =	wrdreg $0xFFFFFFFF  }
0xc5: {  	_ =	task.clear_ibuf [dreg:s9], $0x2FFFF;
	_ =	strace $0x9FFFFFFF  }
0xc6: {  	(tm) =	ssettm $0x7FFFFFFF  }
0xc7: {  	_ =	shalt  }
tec
execute0_lowered:
.L_overlay_start_1:
0x0: {  	(tag) =	ssettag $0x1  }
0x1: {  	s1 =	rddreg [dreg:$0x0]  }
0x2: {  	s2 =	rddreg [dreg:$0x1]  }
0x3: {  	s0 =	srdreg.scid;
	s4 =	rddreg [dreg:$0x2]  }
0x4: {  	s10 =	stileid.u32;
	s7 =	rddreg [dreg:$0x3]  }
0x5: {  	s12 =	simm.s32 $0x1900;
	s28 =	simm.s32 $0x9100;
	s30 =	simm.s32 $0xA100  }
0x6: {  	s31 =	simm.s32 $0xA900;
	s11 =	simm.s32 $0xC900;
	s13 =	simm.s32 $0xD900  }
0x7: {  	s14 =	simm.s32 $0xE100;
	s15 =	simm.s32 $0xE900;
	s16 =	simm.s32 $0xF100  }
0x8: {  	s17 =	simm.s32 $0xF900;
	s18 =	simm.s32 $0x10100;
	s19 =	simm.s32 $0x1  }
0x9: {  	s20 =	simm.s32 $0x2;
	s21 =	simm.s32 $0x5;
	s6 =	smul.u32 $0x3200, s10  }
0xa: {  	s0 =	sand.u32 $0x1, s0;
	s3 =	sshll.u32 s10, $0x1;
	s24 =	smul.u32 $0x1E000, s10  }
0xb: {  	s3 =	sor.u32 s0, s3;
	s8 =	ssub.s32 $0x2, s0;
	s0 =	smul.u32 $0x1900, s0  }
0xc: {  	s22 =	simm.s32 $0x3;
	s5 =	smul.u32 $0x1900, s3;
	s3 =	simm.s32 $0x0  }
0xd: {  	s9 =	sshrl.u32 s8, $0x1;
	s29 =	sshrl.u32 s24, $0x2;
	[smem:$0x7FF] =	sst s3  }
0xe: {  	s8 =	ssub.s32 s8, s9;
	s0 =	sadd.s32 s0, s6;
	s6 =	sadd.s32 $0x200, s1  }
0xf: {  	s7 =	sadd.s32 s29, s7;
	_ =	strace $0x80000047;
	s25 =	sshrl.u32 s0, $0x3  }
0x10: {  	s5 =	sshrl.u32 s5, $0x3;
	s0 =	sor.u32 $0x28, s0;
	s26 =	smul.u32 $0x300, s25  }
.Ltmp0:
0x11: {  	s8 =	smax.u32 s8, $0x1;
	s2 =	sadd.s32 s2, s5;
	(pc) =	sbr.rel .LBB2_1-.Ltmp0, $4  }
0x12: {  	s0 =	sshrl.u32 s0, $0x3;
	s5 =	sadd.s32 $0x100, s1;
	[dreg:$0x6] =	wrdreg s8  }
0x13: {  	v2 =	vlaneseq.u32;
	s8 =	simm.s32 $0xC100;
	s25 =	simm.s32 $0x0;
	s0 =	smul.u32 $0x300, s0  }
0x14: {  	vm0 =	vmmov $0xffff;
	v1 =	vshrl.u32 v2, $0x3;
	[dreg:$0x5] =	wrdreg s2;
	s2 =	simm.s32 $0xB100;
	s9 =	sadd.s32 s26, s4  }
0x15: {  	v0 =	vand.u32 $0x7, v2;
	v2 =	vor.u32 $0x8, v2;
	v1 =	vmul.u32 $0x8, v1;
	s10 =	sadd.s32 s0, s4;
	s4 =	simm.s32 $0xB900;
	s0 =	simm.s32 $0xD100  }
.LBB2_4:
0x16: {  	s24 =	simm.s32 $0x4  }
0x17: {  	_ =	swait.ge [sflag:s24], $0xF00  }
0x18: {  	s25 =	rddreg [dreg:$0x7]  }
0x19: {  	s23 =	rddreg [dreg:$0x6];
	s25 =	sadd.s32 $0x1, s25  }
0x1a: {  	p0 =	sne.s32 s25, s23  }
.Ltmp1:
0x1b: {  	_ = 	snop;
	(pc) =	sbr.rel @!p0 .LBB2_5-.Ltmp1, $3  }
0x1c: {  	_ =	sdelay $0x1  }
0x1d: {  	[sflag:s24] =	ssyncset.done $0x0  }
0x1e: {  	[sflag:s24] =	ssyncadd.s32 $0xFFFFF100  }
.LBB2_1:
0x1f: {  	[dreg:$0x7] =	wrdreg s25  }
0x20: {  	s23 =	rddreg [dreg:$0x5];
	s24 =	simm.s32 $0x6  }
0x21: {  	[tilespmem:s3], [sflag:$0x6] =	stream.linear.gather [hbm4b:s23+s3], $0x1900, $0x38;
	[tilespmem:$0x18100] =	vst v63  }
0x22: {  	_ =	swait.ge [sflag:s24], $0x1900  }
0x23: {  	[sflag:s24] =	ssyncset.done $0x0  }
0x24: {  	[sflag:s24] =	ssyncadd.s32 $0xFFFFE700  }
0x25: {  	v3 =	vld [tilespmem:$0x0];
	_ =	sdelay $0x4  }
0x26: {  	v4 =	vshrl.u32 v3, $0x3  }
0x27: {  	v4 =	vmul.u32 $0x30, v4  }
0x28: {  	v3 =	vand.u32 $0x7, v3  }
0x29: {  	v3 =	vor.u32 v3, v4  }
0x2a: {  	v4 =	vperm.xlane v3, v0;
	_ =	sdelay $0x1  }
0x2b: {  	v4 =	vadd.s32 v1, v4;
	_ =	sdelay $0x3  }
0x2c: {  	v3 =	vperm.xlane v3, v2  }
0x2d: {  	[tilespmem:s12], [sflag:$0x1] =	stream.indirect_vreg.gather [hbm4b:s1+s3], $0x80, v4, vm0, $0xb8;
	[tilespmem:$0x18100] =	vst v63  }
0x2e: {  	s25 =	simm.s32 $0x2100;
	v3 =	vadd.s32 v1, v3  }
0x2f: {  	[tilespmem:s25], [sflag:$0x1] =	stream.indirect_vreg.gather [hbm4b:s5+s3], $0x80, v4, vm0, $0xb8;
	[tilespmem:$0x18100] =	vst v63  }
0x30: {  	s26 =	simm.s32 $0x2900  }
0x31: {  	[tilespmem:s26], [sflag:$0x1] =	stream.indirect_vreg.gather [hbm4b:s6+s3], $0x80, v4, vm0, $0xb8;
	[tilespmem:$0x18100] =	vst v63  }
0x32: {  	s29 =	simm.s32 $0x3100  }
0x33: {  	[tilespmem:s29], [sflag:$0x1] =	stream.indirect_vreg.gather [hbm4b:s1+s3], $0x80, v3, vm0, $0xb8;
	[tilespmem:$0x18100] =	vst v63  }
0x34: {  	s24 =	simm.s32 $0x3900  }
0x35: {  	[tilespmem:s24], [sflag:$0x1] =	stream.indirect_vreg.gather [hbm4b:s5+s3], $0x80, v3, vm0, $0xb8;
	[tilespmem:$0x18100] =	vst v63  }
0x36: {  	s25 =	simm.s32 $0x4100  }
0x37: {  	[tilespmem:s25], [sflag:$0x1] =	stream.indirect_vreg.gather [hbm4b:s6+s3], $0x80, v3, vm0, $0xb8;
	[tilespmem:$0x18100] =	vst v63  }
0x38: {  	v3 =	vld [tilespmem:$0x10];
	_ =	sdelay $0x4  }
0x39: {  	v59 =	vshrl.u32 v3, $0x3  }
0x3a: {  	v4 =	vmul.u32 $0x30, v59  }
0x3b: {  	v3 =	vand.u32 $0x7, v3  }
0x3c: {  	v3 =	vor.u32 v3, v4  }
0x3d: {  	v4 =	vperm.xlane v3, v0;
	_ =	sdelay $0x1  }
0x3e: {  	v4 =	vadd.s32 v1, v4;
	_ =	sdelay $0x3  }
0x3f: {  	s26 =	simm.s32 $0x4900;
	v3 =	vperm.xlane v3, v2  }
0x40: {  	[tilespmem:s26], [sflag:$0x1] =	stream.indirect_vreg.gather [hbm4b:s1+s3], $0x80, v4, vm0, $0xb8;
	[tilespmem:$0x18100] =	vst v63  }
0x41: {  	s29 =	simm.s32 $0x5100;
	v3 =	vadd.s32 v1, v3  }
0x42: {  	[tilespmem:s29], [sflag:$0x1] =	stream.indirect_vreg.gather [hbm4b:s5+s3], $0x80, v4, vm0, $0xb8;
	[tilespmem:$0x18100] =	vst v63  }
0x43: {  	s24 =	simm.s32 $0x5900  }
0x44: {  	[tilespmem:s24], [sflag:$0x1] =	stream.indirect_vreg.gather [hbm4b:s6+s3], $0x80, v4, vm0, $0xb8;
	[tilespmem:$0x18100] =	vst v63  }
0x45: {  	s25 =	simm.s32 $0x6100  }
0x46: {  	[tilespmem:s25], [sflag:$0x1] =	stream.indirect_vreg.gather [hbm4b:s1+s3], $0x80, v3, vm0, $0xb8;
	[tilespmem:$0x18100] =	vst v63  }
0x47: {  	s26 =	simm.s32 $0x6900  }
0x48: {  	[tilespmem:s26], [sflag:$0x1] =	stream.indirect_vreg.gather [hbm4b:s5+s3], $0x80, v3, vm0, $0xb8;
	[tilespmem:$0x18100] =	vst v63  }
0x49: {  	s29 =	simm.s32 $0x7100  }
0x4a: {  	[tilespmem:s29], [sflag:$0x1] =	stream.indirect_vreg.gather [hbm4b:s6+s3], $0x80, v3, vm0, $0xb8;
	[tilespmem:$0x18100] =	vst v63  }
0x4b: {  	v3 =	vld.msk [tilespmem:$0x20], $0xff;
	_ =	sdelay $0x4  }
0x4c: {  	v60 =	vshrl.u32 v3, $0x3  }
0x4d: {  	v4 =	vmul.u32 $0x30, v60  }
0x4e: {  	v3 =	vand.u32 $0x7, v3  }
0x4f: {  	v3 =	vor.u32 v3, v4  }
0x50: {  	v3 =	vperm.xlane v3, v0;
	_ =	sdelay $0x1  }
0x51: {  	v3 =	vadd.s32 v1, v3;
	_ =	sdelay $0x3  }
0x52: {  	s24 =	simm.s32 $0x7900  }
0x53: {  	[tilespmem:s24], [sflag:$0x1] =	stream.indirect_vreg.gather [hbm4b:s1+s3], $0x80, v3, vm0, $0xb8;
	[tilespmem:$0x18100] =	vst v63  }
0x54: {  	s25 =	simm.s32 $0x8100  }
0x55: {  	[tilespmem:s25], [sflag:$0x1] =	stream.indirect_vreg.gather [hbm4b:s5+s3], $0x80, v3, vm0, $0xb8;
	[tilespmem:$0x18100] =	vst v63  }
0x56: {  	s26 =	simm.s32 $0x8900  }
0x57: {  	[tilespmem:s26], [sflag:$0x1] =	stream.indirect_vreg.gather [hbm4b:s6+s3], $0x80, v3, vm0, $0xb8;
	[tilespmem:$0x18100] =	vst v63  }
0x58: {  	v3 =	vld [tilespmem:$0x28];
	_ =	sdelay $0x4  }
0x59: {  	v61 =	vshrl.u32 v3, $0x3  }
0x5a: {  	v4 =	vmul.u32 $0x30, v61  }
0x5b: {  	v3 =	vand.u32 $0x7, v3  }
0x5c: {  	v3 =	vor.u32 v3, v4  }
0x5d: {  	v4 =	vperm.xlane v3, v0;
	_ =	sdelay $0x1  }
0x5e: {  	v4 =	vadd.s32 v1, v4;
	_ =	sdelay $0x3  }
0x5f: {  	v3 =	vperm.xlane v3, v2  }
0x60: {  	[tilespmem:s28], [sflag:$0x2] =	stream.indirect_vreg.gather [hbm4b:s1+s3], $0x80, v4, vm0, $0xb8;
	[tilespmem:$0x18100] =	vst v63  }
0x61: {  	s29 =	simm.s32 $0x9900;
	v3 =	vadd.s32 v1, v3  }
0x62: {  	[tilespmem:s29], [sflag:$0x2] =	stream.indirect_vreg.gather [hbm4b:s5+s3], $0x80, v4, vm0, $0xb8;
	[tilespmem:$0x18100] =	vst v63  }
0x63: {  	_ = 	snop  }
0x64: {  	[tilespmem:s30], [sflag:$0x2] =	stream.indirect_vreg.gather [hbm4b:s6+s3], $0x80, v4, vm0, $0xb8;
	[tilespmem:$0x18100] =	vst v63  }
0x65: {  	_ = 	snop  }
0x66: {  	[tilespmem:s31], [sflag:$0x2] =	stream.indirect_vreg.gather [hbm4b:s1+s3], $0x80, v3, vm0, $0xb8;
	[tilespmem:$0x18100] =	vst v63  }
0x67: {  	_ = 	snop  }
0x68: {  	[tilespmem:s2], [sflag:$0x2] =	stream.indirect_vreg.gather [hbm4b:s5+s3], $0x80, v3, vm0, $0xb8;
	[tilespmem:$0x18100] =	vst v63  }
0x69: {  	_ = 	snop  }
0x6a: {  	[tilespmem:s4], [sflag:$0x2] =	stream.indirect_vreg.gather [hbm4b:s6+s3], $0x80, v3, vm0, $0xb8;
	[tilespmem:$0x18100] =	vst v63  }
0x6b: {  	v3 =	vld [tilespmem:$0x38];
	_ =	sdelay $0x4  }
0x6c: {  	v62 =	vshrl.u32 v3, $0x3  }
0x6d: {  	v4 =	vmul.u32 $0x30, v62  }
0x6e: {  	v3 =	vand.u32 $0x7, v3  }
0x6f: {  	v3 =	vor.u32 v3, v4  }
0x70: {  	v4 =	vperm.xlane v3, v0;
	_ =	sdelay $0x1  }
0x71: {  	v4 =	vadd.s32 v1, v4;
	_ =	sdelay $0x3  }
0x72: {  	v3 =	vperm.xlane v3, v2  }
0x73: {  	[tilespmem:s8], [sflag:$0x2] =	stream.indirect_vreg.gather [hbm4b:s1+s3], $0x80, v4, vm0, $0xb8;
	[tilespmem:$0x18100] =	vst v63  }
0x74: {  	v3 =	vadd.s32 v1, v3  }
0x75: {  	[tilespmem:s11], [sflag:$0x2] =	stream.indirect_vreg.gather [hbm4b:s5+s3], $0x80, v4, vm0, $0xb8;
	[tilespmem:$0x18100] =	vst v63  }
0x76: {  	_ = 	snop  }
0x77: {  	[tilespmem:s0], [sflag:$0x2] =	stream.indirect_vreg.gather [hbm4b:s6+s3], $0x80, v4, vm0, $0xb8;
	[tilespmem:$0x18100] =	vst v63  }
0x78: {  	_ = 	snop  }
0x79: {  	[tilespmem:s13], [sflag:$0x2] =	stream.indirect_vreg.gather [hbm4b:s1+s3], $0x80, v3, vm0, $0xb8;
	[tilespmem:$0x18100] =	vst v63  }
0x7a: {  	_ = 	snop  }
0x7b: {  	[tilespmem:s14], [sflag:$0x2] =	stream.indirect_vreg.gather [hbm4b:s5+s3], $0x80, v3, vm0, $0xb8;
	[tilespmem:$0x18100] =	vst v63  }
0x7c: {  	_ = 	snop  }
0x7d: {  	[tilespmem:s15], [sflag:$0x2] =	stream.indirect_vreg.gather [hbm4b:s6+s3], $0x80, v3, vm0, $0xb8;
	[tilespmem:$0x18100] =	vst v63  }
0x7e: {  	v3 =	vld.msk [tilespmem:$0x48], $0xff;
	_ =	sdelay $0x4  }
0x7f: {  	v63 =	vshrl.u32 v3, $0x3  }
0x80: {  	v4 =	vmul.u32 $0x30, v63  }
0x81: {  	v3 =	vand.u32 $0x7, v3  }
0x82: {  	v3 =	vor.u32 v3, v4  }
0x83: {  	v3 =	vperm.xlane v3, v0;
	_ =	sdelay $0x1  }
0x84: {  	v3 =	vadd.s32 v1, v3;
	_ =	sdelay $0x4  }
0x85: {  	[tilespmem:s16], [sflag:$0x2] =	stream.indirect_vreg.gather [hbm4b:s1+s3], $0x80, v3, vm0, $0xb8;
	[tilespmem:$0x18100] =	vst v63  }
0x86: {  	_ = 	snop  }
0x87: {  	[tilespmem:s17], [sflag:$0x2] =	stream.indirect_vreg.gather [hbm4b:s5+s3], $0x80, v3, vm0, $0xb8;
	[tilespmem:$0x18100] =	vst v63  }
0x88: {  	s23 =	simm.s32 $0x98;
	s24 =	simm.s32 $0x0  }
0x89: {  	[tilespmem:s18], [sflag:$0x2] =	stream.indirect_vreg.gather [hbm4b:s6+s3], $0x80, v3, vm0, $0xb8;
	[tilespmem:$0x18100] =	vst v63  }
.LBB2_2:
0x8a: {  	_ =	swait.ge [sflag:s19], $0x7800  }
0x8b: {  	[sflag:s19] =	ssyncset.done $0x0  }
0x8c: {  	s25 =	sadd.s32 s24, s9;
	[sflag:s19] =	ssyncadd.s32 $0xFFFF8800  }
0x8d: {  	[hbm4b:s25+s3] =	stream.linear.scatter [tilespmem:s12], [sflag:$0x3], $0x7800, $0x38;
	[tilespmem:$0x18100] =	vst v63  }
0x8e: {  	_ =	swait.ge [sflag:s20], $0x7800  }
0x8f: {  	p0 =	seq.s32 s24, $0x0;
	[sflag:s20] =	ssyncset.done $0x0  }
0x90: {  	s25 =	simm.s32 @!p0 $0x4;
	[sflag:s20] =	ssyncadd.s32 $0xFFFF8800  }
0x91: {  	_ =	swait.ge @!p0 [sflag:s25], $0xF00  }
0x92: {  	[sflag:s25] =	ssyncset.done @!p0 $0x0  }
0x93: {  	s29 =	stileid.u32;
	[sflag:s25] =	ssyncadd.s32 @!p0 $0xFFFFF100  }
0x94: {  	[spmem:s7] =	stream.linear.scatter [tilespmem:s28], [sflag:$0x5], $0x7800, $0x38;
	[tilespmem:$0x18100] =	vst v63  }
0x95: {  	s26 =	sadd.s32 s24, s10;
	s25 =	sshll.u32 s29, $0x6;
	_ =	swait.ge [sflag:s21], $0x7800  }
0x96: {  	s29 =	sshrl.u32 s7, $0x3;
	p0 =	seq.s32 s24, $0x94200;
	[sflag:s21] =	ssyncset.done $0x0  }
.Ltmp2:
0x97: {  	s25 =	sor.u32 $0x1C04, s25;
	[sflag:s21] =	ssyncadd.s32 $0xFFFF8800;
	(pc) =	sbr.rel @p0 .LBB2_4-.Ltmp2, $4  }
0x98: {  	[hbm:s26], [sflag:s25] =	dma.local [spmem:s29], $0xF00  }
0x99: {  	_ =	swait.ge [sflag:s22], $0x7800  }
0x9a: {  	[sflag:s22] =	ssyncset.done $0x0  }
0x9b: {  	[sflag:s22] =	ssyncadd.s32 $0xFFFF8800  }
0x9c: {  	v3 =	vld [tilespmem:s23+$0xFFFFFFB8];
	_ =	sdelay $0x4  }
0x9d: {  	v4 =	vshrl.u32 v3, $0x3  }
0x9e: {  	v4 =	vmul.u32 $0x30, v4  }
0x9f: {  	v3 =	vand.u32 $0x7, v3  }
0xa0: {  	v3 =	vor.u32 v3, v4  }
0xa1: {  	v4 =	vperm.xlane v3, v0;
	_ =	sdelay $0x1  }
0xa2: {  	v4 =	vadd.s32 v1, v4;
	_ =	sdelay $0x3  }
0xa3: {  	v3 =	vperm.xlane v3, v2  }
0xa4: {  	[tilespmem:s12], [sflag:$0x1] =	stream.indirect_vreg.gather [hbm4b:s1+s3], $0x80, v4, vm0, $0xb8;
	[tilespmem:$0x18100] =	vst v63  }
0xa5: {  	s25 =	simm.s32 $0x2100;
	v3 =	vadd.s32 v1, v3  }
0xa6: {  	[tilespmem:s25], [sflag:$0x1] =	stream.indirect_vreg.gather [hbm4b:s5+s3], $0x80, v4, vm0, $0xb8;
	[tilespmem:$0x18100] =	vst v63  }
0xa7: {  	s26 =	simm.s32 $0x2900  }
0xa8: {  	[tilespmem:s26], [sflag:$0x1] =	stream.indirect_vreg.gather [hbm4b:s6+s3], $0x80, v4, vm0, $0xb8;
	[tilespmem:$0x18100] =	vst v63  }
0xa9: {  	s29 =	simm.s32 $0x3100  }
0xaa: {  	[tilespmem:s29], [sflag:$0x1] =	stream.indirect_vreg.gather [hbm4b:s1+s3], $0x80, v3, vm0, $0xb8;
	[tilespmem:$0x18100] =	vst v63  }
0xab: {  	s26 =	simm.s32 $0x3900  }
0xac: {  	[tilespmem:s26], [sflag:$0x1] =	stream.indirect_vreg.gather [hbm4b:s5+s3], $0x80, v3, vm0, $0xb8;
	[tilespmem:$0x18100] =	vst v63  }
0xad: {  	s29 =	simm.s32 $0x4100  }
0xae: {  	[tilespmem:s29], [sflag:$0x1] =	stream.indirect_vreg.gather [hbm4b:s6+s3], $0x80, v3, vm0, $0xb8;
	[tilespmem:$0x18100] =	vst v63  }
0xaf: {  	v3 =	vld [tilespmem:s23+$0xFFFFFFC8];
	_ =	sdelay $0x4  }
0xb0: {  	v59 =	vshrl.u32 v3, $0x3  }
0xb1: {  	v4 =	vmul.u32 $0x30, v59  }
0xb2: {  	v3 =	vand.u32 $0x7, v3  }
0xb3: {  	v3 =	vor.u32 v3, v4  }
0xb4: {  	v4 =	vperm.xlane v3, v0;
	_ =	sdelay $0x1  }
0xb5: {  	v4 =	vadd.s32 v1, v4;
	_ =	sdelay $0x3  }
0xb6: {  	s26 =	simm.s32 $0x4900;
	v3 =	vperm.xlane v3, v2  }
0xb7: {  	[tilespmem:s26], [sflag:$0x1] =	stream.indirect_vreg.gather [hbm4b:s1+s3], $0x80, v4, vm0, $0xb8;
	[tilespmem:$0x18100] =	vst v63  }
0xb8: {  	s29 =	simm.s32 $0x5100;
	v3 =	vadd.s32 v1, v3  }
0xb9: {  	[tilespmem:s29], [sflag:$0x1] =	stream.indirect_vreg.gather [hbm4b:s5+s3], $0x80, v4, vm0, $0xb8;
	[tilespmem:$0x18100] =	vst v63  }
0xba: {  	s26 =	simm.s32 $0x5900  }
0xbb: {  	[tilespmem:s26], [sflag:$0x1] =	stream.indirect_vreg.gather [hbm4b:s6+s3], $0x80, v4, vm0, $0xb8;
	[tilespmem:$0x18100] =	vst v63  }
0xbc: {  	s29 =	simm.s32 $0x6100  }
0xbd: {  	[tilespmem:s29], [sflag:$0x1] =	stream.indirect_vreg.gather [hbm4b:s1+s3], $0x80, v3, vm0, $0xb8;
	[tilespmem:$0x18100] =	vst v63  }
0xbe: {  	s26 =	simm.s32 $0x6900  }
0xbf: {  	[tilespmem:s26], [sflag:$0x1] =	stream.indirect_vreg.gather [hbm4b:s5+s3], $0x80, v3, vm0, $0xb8;
	[tilespmem:$0x18100] =	vst v63  }
0xc0: {  	s29 =	simm.s32 $0x7100  }
0xc1: {  	[tilespmem:s29], [sflag:$0x1] =	stream.indirect_vreg.gather [hbm4b:s6+s3], $0x80, v3, vm0, $0xb8;
	[tilespmem:$0x18100] =	vst v63  }
0xc2: {  	v3 =	vld.msk [tilespmem:s23+$0xFFFFFFD8], $0xff;
	_ =	sdelay $0x4  }
0xc3: {  	v60 =	vshrl.u32 v3, $0x3  }
0xc4: {  	v4 =	vmul.u32 $0x30, v60  }
0xc5: {  	v3 =	vand.u32 $0x7, v3  }
0xc6: {  	v3 =	vor.u32 v3, v4  }
0xc7: {  	v3 =	vperm.xlane v3, v0;
	_ =	sdelay $0x1  }
0xc8: {  	v3 =	vadd.s32 v1, v3;
	_ =	sdelay $0x3  }
0xc9: {  	s26 =	simm.s32 $0x7900  }
0xca: {  	[tilespmem:s26], [sflag:$0x1] =	stream.indirect_vreg.gather [hbm4b:s1+s3], $0x80, v3, vm0, $0xb8;
	[tilespmem:$0x18100] =	vst v63  }
0xcb: {  	s29 =	simm.s32 $0x8100  }
0xcc: {  	[tilespmem:s29], [sflag:$0x1] =	stream.indirect_vreg.gather [hbm4b:s5+s3], $0x80, v3, vm0, $0xb8;
	[tilespmem:$0x18100] =	vst v63  }
0xcd: {  	s26 =	simm.s32 $0x8900  }
0xce: {  	[tilespmem:s26], [sflag:$0x1] =	stream.indirect_vreg.gather [hbm4b:s6+s3], $0x80, v3, vm0, $0xb8;
	[tilespmem:$0x18100] =	vst v63  }
0xcf: {  	v3 =	vld [tilespmem:s23+$0xFFFFFFE0];
	_ =	sdelay $0x4  }
0xd0: {  	v61 =	vshrl.u32 v3, $0x3  }
0xd1: {  	v4 =	vmul.u32 $0x30, v61  }
0xd2: {  	v3 =	vand.u32 $0x7, v3  }
0xd3: {  	v3 =	vor.u32 v3, v4  }
0xd4: {  	v4 =	vperm.xlane v3, v0;
	_ =	sdelay $0x1  }
0xd5: {  	v4 =	vadd.s32 v1, v4;
	_ =	sdelay $0x3  }
0xd6: {  	v3 =	vperm.xlane v3, v2  }
0xd7: {  	[tilespmem:s28], [sflag:$0x2] =	stream.indirect_vreg.gather [hbm4b:s1+s3], $0x80, v4, vm0, $0xb8;
	[tilespmem:$0x18100] =	vst v63  }
0xd8: {  	s29 =	simm.s32 $0x9900;
	v3 =	vadd.s32 v1, v3  }
0xd9: {  	[tilespmem:s29], [sflag:$0x2] =	stream.indirect_vreg.gather [hbm4b:s5+s3], $0x80, v4, vm0, $0xb8;
	[tilespmem:$0x18100] =	vst v63  }
0xda: {  	_ = 	snop  }
0xdb: {  	[tilespmem:s30], [sflag:$0x2] =	stream.indirect_vreg.gather [hbm4b:s6+s3], $0x80, v4, vm0, $0xb8;
	[tilespmem:$0x18100] =	vst v63  }
0xdc: {  	_ = 	snop  }
0xdd: {  	[tilespmem:s31], [sflag:$0x2] =	stream.indirect_vreg.gather [hbm4b:s1+s3], $0x80, v3, vm0, $0xb8;
	[tilespmem:$0x18100] =	vst v63  }
0xde: {  	_ = 	snop  }
0xdf: {  	[tilespmem:s2], [sflag:$0x2] =	stream.indirect_vreg.gather [hbm4b:s5+s3], $0x80, v3, vm0, $0xb8;
	[tilespmem:$0x18100] =	vst v63  }
0xe0: {  	_ = 	snop  }
0xe1: {  	[tilespmem:s4], [sflag:$0x2] =	stream.indirect_vreg.gather [hbm4b:s6+s3], $0x80, v3, vm0, $0xb8;
	[tilespmem:$0x18100] =	vst v63  }
0xe2: {  	v3 =	vld [tilespmem:s23+$0xFFFFFFF0];
	_ =	sdelay $0x4  }
0xe3: {  	v62 =	vshrl.u32 v3, $0x3  }
0xe4: {  	v4 =	vmul.u32 $0x30, v62  }
0xe5: {  	v3 =	vand.u32 $0x7, v3  }
0xe6: {  	v3 =	vor.u32 v3, v4  }
0xe7: {  	v4 =	vperm.xlane v3, v0;
	_ =	sdelay $0x1  }
0xe8: {  	v4 =	vadd.s32 v1, v4;
	_ =	sdelay $0x3  }
0xe9: {  	v3 =	vperm.xlane v3, v2  }
0xea: {  	[tilespmem:s8], [sflag:$0x2] =	stream.indirect_vreg.gather [hbm4b:s1+s3], $0x80, v4, vm0, $0xb8;
	[tilespmem:$0x18100] =	vst v63  }
0xeb: {  	v3 =	vadd.s32 v1, v3  }
0xec: {  	[tilespmem:s11], [sflag:$0x2] =	stream.indirect_vreg.gather [hbm4b:s5+s3], $0x80, v4, vm0, $0xb8;
	[tilespmem:$0x18100] =	vst v63  }
0xed: {  	_ = 	snop  }
0xee: {  	[tilespmem:s0], [sflag:$0x2] =	stream.indirect_vreg.gather [hbm4b:s6+s3], $0x80, v4, vm0, $0xb8;
	[tilespmem:$0x18100] =	vst v63  }
0xef: {  	_ = 	snop  }
0xf0: {  	[tilespmem:s13], [sflag:$0x2] =	stream.indirect_vreg.gather [hbm4b:s1+s3], $0x80, v3, vm0, $0xb8;
	[tilespmem:$0x18100] =	vst v63  }
0xf1: {  	_ = 	snop  }
0xf2: {  	[tilespmem:s14], [sflag:$0x2] =	stream.indirect_vreg.gather [hbm4b:s5+s3], $0x80, v3, vm0, $0xb8;
	[tilespmem:$0x18100] =	vst v63  }
0xf3: {  	_ = 	snop  }
0xf4: {  	[tilespmem:s15], [sflag:$0x2] =	stream.indirect_vreg.gather [hbm4b:s6+s3], $0x80, v3, vm0, $0xb8;
	[tilespmem:$0x18100] =	vst v63  }
0xf5: {  	v3 =	vld.msk [tilespmem:s23+$0x0], $0xff;
	_ =	sdelay $0x4  }
0xf6: {  	v63 =	vshrl.u32 v3, $0x3  }
0xf7: {  	v4 =	vmul.u32 $0x30, v63  }
0xf8: {  	v3 =	vand.u32 $0x7, v3  }
0xf9: {  	v3 =	vor.u32 v3, v4  }
0xfa: {  	v3 =	vperm.xlane v3, v0;
	_ =	sdelay $0x1  }
0xfb: {  	v3 =	vadd.s32 v1, v3;
	_ =	sdelay $0x4  }
0xfc: {  	[tilespmem:s16], [sflag:$0x2] =	stream.indirect_vreg.gather [hbm4b:s1+s3], $0x80, v3, vm0, $0xb8;
	[tilespmem:$0x18100] =	vst v63  }
.Ltmp3:
0xfd: {  	_ = 	snop;
	(pc) =	sbr.rel .LBB2_2-.Ltmp3, $4  }
0xfe: {  	_ = 	snop  }
0xff: {  	[tilespmem:s17], [sflag:$0x2] =	stream.indirect_vreg.gather [hbm4b:s5+s3], $0x80, v3, vm0, $0xb8;
	[tilespmem:$0x18100] =	vst v63  }
0x100: {  	s24 =	sadd.s32 $0x1E00, s24;
	s23 =	sadd.s32 $0x50, s23  }
0x101: {  	[tilespmem:s18], [sflag:$0x2] =	stream.indirect_vreg.gather [hbm4b:s6+s3], $0x80, v3, vm0, $0xb8;
	[tilespmem:$0x18100] =	vst v63  }
.LBB2_5:
0x102: {  	_ =	sfence.sel $0x180000  }
0x103: {  	[bflag:$0x0] =	sbarrier.arrive $0xFFFF  }
0x104: {  	_ =	strace $0x90000047  }
0x105: {  	s0 =	stileid.u32;
	[bflag:$0x2] =	sbarrier.arrive $0xFFFF  }
0x106: {  	p0 =	sne.s32 s0, $0x0;
	s0 =	rddreg [dreg:$0x4]  }
0x107: {  	s0 =	sadd.s32 @!p0 $0x100000, s0  }
0x108: {  	[sflag:s0] =	ssyncadd.tile.s32 @!p0 $0x1;
	_ =	shalt  }
.Lfunc_end2:
_tile_overlayer_lowered:
.L_overlay_start_2:
0x109: {  	(tag) =	ssettag $0x2  }
0x10a: {  	s0 =	rddreg [dreg:$0x0];
	s2 =	stileid.u32  }
0x10b: {  	s1 =	rddreg [dreg:$0x1];
	p0 =	sne.s32 s2, $0x0  }
0x10c: {  	s3 =	rddreg [dreg:$0x2];
	[bflag:$0x3] =	sbarrier.arrive $0xFFFF;
	s2 =	simm.s32 @!p0 $0x1C06  }
0x10d: {  	[timem:s3], [sflag:s2] =	dma.local @!p0 [hbm:s0], s1  }
0x10e: {  	s0 =	simm.s32 @!p0 $0x6  }
0x10f: {  	_ =	swait.ge @!p0 [sflag:s0], s1  }
0x110: {  	s1 =	ssub.s32 @!p0 $0x0, s1;
	[sflag:s0] =	ssyncset.done @!p0 $0x0  }
0x111: {  	[sflag:s0] =	ssyncadd.s32 @!p0 s1  }
0x112: {  	[bflag:$0x3] =	sbarrier.arrive $0xFFFF  }
0x113: {  	_ =	shalt  }

</sc_bundles>
